<compile_context>
chip_gen: v7x
topology: tpu7x:2x2x1
jax: 0.10.2.dev20260603
libtpu: 0.0.44.dev20260713+nightly
codegen_flags: <defaults>
</compile_context>

<pallas_src>
import jax
import jax.numpy as jnp
from jax import lax
from jax.experimental import pallas as pl
from jax.experimental.pallas import tpu as pltpu
from jax.experimental.pallas import tpu_sc as plsc

NUM_CLASS = 100000
CTX_DIM = 512
N_CLS_CTX = 16
PREFIX_LEN = 6
SUFFIX_LEN = 55
BATCH = 1024
MASK_PROB = 0.5
SEQ = PREFIX_LEN + N_CLS_CTX + SUFFIX_LEN
ROW = N_CLS_CTX * CTX_DIM

NC, NS = 2, 16
NW = NC * NS
B_PER_W = BATCH // NW
GRP = 4
NGRP = B_PER_W // GRP

BS = 64


def _sc_gather_body(labels_hbm, cls_hbm, stage_hbm, idx_v, buf0, buf1,
                    gsem, osem):
    wid = lax.axis_index("c") * NS + lax.axis_index("s")
    base = wid * B_PER_W
    pltpu.sync_copy(labels_hbm.at[wid], idx_v)

    bufs = [buf0, buf1]
    cp_in = [None, None]
    cp_out = [None, None]
    for g in range(2):
        cp_in[g] = pltpu.async_copy(
            cls_hbm.at[idx_v.at[g]], bufs[g], gsem)
    for g in range(NGRP):
        s = g % 2
        cp_in[s].wait()
        cp_out[s] = pltpu.async_copy(
            bufs[s], stage_hbm.at[pl.ds(base + g * GRP, GRP)], osem)
        if g + 2 < NGRP:
            cp_out[s].wait()
            cp_in[s] = pltpu.async_copy(
                cls_hbm.at[idx_v.at[g + 2]], bufs[s], gsem)
    cp_out[(NGRP - 2) % 2].wait()
    cp_out[(NGRP - 1) % 2].wait()


def _tc_assemble_body(stage_ref, mask_ref, pref_ref, suf_ref, dir_ref,
                      out_ref):
    ctx = stage_ref[...].reshape(BS * N_CLS_CTX, CTX_DIM)
    d = dir_ref[...]
    sim = lax.dot_general(ctx, d.reshape(CTX_DIM, 1),
                          (((1,), (0,)), ((), ())),
                          preferred_element_type=jnp.float32)
    m = jnp.broadcast_to(mask_ref[...].reshape(BS, 1, 1),
                         (BS, N_CLS_CTX, 1)).reshape(BS * N_CLS_CTX, 1)
    ctxm = ctx - (sim * m) * d
    out_ref[:, 0:PREFIX_LEN, :] = jnp.broadcast_to(
        pref_ref[...][None], (BS, PREFIX_LEN, CTX_DIM))
    out_ref[:, PREFIX_LEN:PREFIX_LEN + N_CLS_CTX, :] = ctxm.reshape(
        BS, N_CLS_CTX, CTX_DIM)
    out_ref[:, PREFIX_LEN + N_CLS_CTX:SEQ, :] = jnp.broadcast_to(
        suf_ref[...][None], (BS, SUFFIX_LEN, CTX_DIM))


def kernel(labels, cls_ctx, token_prefix, token_suffix, cloth_direction):
    mask_key = jax.random.key(1234)
    mask = (jax.random.uniform(mask_key, (BATCH,), dtype=jnp.float32)
            < MASK_PROB).astype(jnp.float32)

    gather = pl.kernel(
        _sc_gather_body,
        out_type=jax.ShapeDtypeStruct((BATCH, N_CLS_CTX, CTX_DIM),
                                      jnp.float32),
        mesh=plsc.VectorSubcoreMesh(core_axis_name="c", subcore_axis_name="s"),
        scratch_types=[
            pltpu.VMEM((NGRP, GRP), jnp.int32),
            pltpu.VMEM((GRP, N_CLS_CTX, CTX_DIM), jnp.float32),
            pltpu.VMEM((GRP, N_CLS_CTX, CTX_DIM), jnp.float32),
            pltpu.SemaphoreType.DMA,
            pltpu.SemaphoreType.DMA,
        ],
    )
    stage = gather(labels.reshape(NW, NGRP, GRP), cls_ctx)

    out = pl.pallas_call(
        _tc_assemble_body,
        out_shape=jax.ShapeDtypeStruct((BATCH, SEQ, CTX_DIM), jnp.float32),
        grid=(BATCH // BS,),
        in_specs=[
            pl.BlockSpec((BS, N_CLS_CTX, CTX_DIM), lambda i: (i, 0, 0)),
            pl.BlockSpec((BS, 1), lambda i: (i, 0)),
            pl.BlockSpec((PREFIX_LEN, CTX_DIM), lambda i: (0, 0)),
            pl.BlockSpec((SUFFIX_LEN, CTX_DIM), lambda i: (0, 0)),
            pl.BlockSpec((1, CTX_DIM), lambda i: (0, 0)),
        ],
        out_specs=pl.BlockSpec((BS, SEQ, CTX_DIM), lambda i: (i, 0, 0)),
    )(
        stage,
        mask.reshape(BATCH, 1),
        token_prefix.reshape(PREFIX_LEN, CTX_DIM),
        token_suffix.reshape(SUFFIX_LEN, CTX_DIM),
        cloth_direction.reshape(1, CTX_DIM),
    )
    return out

# --- scband reference (transcript-rebuilt; emitter-appended) ---
"""Pipeline reference for scband-prompt-learner-42442866819659 (READ-ONLY COPY).

The authoritative reference and input builder live on the scoring server;
editing this copy changes nothing except your own understanding.
"""

import jax, jax.numpy as jnp
import numpy as np

NUM_CLASS = 100000
CTX_DIM = 512
N_CLS_CTX = 16
PREFIX_LEN = 6
SUFFIX_LEN = 55
BATCH = 1024
MASK_PROB = 0.5


def setup_inputs(seed: int = 0) -> dict:
    key = jax.random.key(seed)
    k1, k2, k3, k4, k5 = jax.random.split(key, 5)
    labels = jax.random.randint(k1, (BATCH,), 0, NUM_CLASS, dtype=jnp.int32)
    # learned per-class context vectors (nn.Parameter cls_ctx)
    cls_ctx = 0.02 * jax.random.normal(k2, (NUM_CLASS, N_CLS_CTX, CTX_DIM), dtype=jnp.float32)
    # frozen prompt prefix/suffix embeddings (buffers derived from token_embedding of the template)
    token_prefix = 0.02 * jax.random.normal(k3, (1, PREFIX_LEN, CTX_DIM), dtype=jnp.float32)
    token_suffix = 0.02 * jax.random.normal(k4, (1, SUFFIX_LEN, CTX_DIM), dtype=jnp.float32)
    cloth_dir = jax.random.normal(k5, (1, CTX_DIM), dtype=jnp.float32)
    cloth_direction = cloth_dir / jnp.linalg.norm(cloth_dir, axis=-1, keepdims=True)
    return {
        "labels": labels,
        "cls_ctx": cls_ctx,
        "token_prefix": token_prefix,
        "token_suffix": token_suffix,
        "cloth_direction": cloth_direction,
    }


def reference(labels, cls_ctx, token_prefix, token_suffix, cloth_direction):
    # mask_mode == 'random' (default)
    B = labels.shape[0]
    prefix = jnp.broadcast_to(token_prefix, (B, PREFIX_LEN, CTX_DIM))
    suffix = jnp.broadcast_to(token_suffix, (B, SUFFIX_LEN, CTX_DIM))
    # embedding lookup: per-class learned context
    ctx = jnp.take(cls_ctx, labels, axis=0)  # (B, K, C)
    ctx_flat = ctx.reshape(B * N_CLS_CTX, CTX_DIM)
    sim = ctx_flat @ cloth_direction.T  # (B*K, 1)
    proj = sim * cloth_direction  # (B*K, C)
    ctx_masked = (ctx_flat - proj).reshape(B, N_CLS_CTX, CTX_DIM)
    prompts_ori = jnp.concatenate([prefix, ctx, suffix], axis=1)
    prompts_masked = jnp.concatenate([prefix, ctx_masked, suffix], axis=1)
    mask_key = jax.random.key(1234)
    mask_flag = (jax.random.uniform(mask_key, (B,), dtype=jnp.float32) < MASK_PROB).astype(jnp.float32).reshape(B, 1, 1)
    return prompts_ori * (1.0 - mask_flag) + prompts_masked * mask_flag

if __name__ == "__main__":
    import jax
    _d = setup_inputs()
    print(jax.jit(kernel)(*tuple(_d.values())))

</pallas_src>

<mosaic_0001>
#map = affine_map<(d0, d1) -> (0, 0, 0)>
module attributes {stable_mosaic.version = 14 : i64} {
  func.func @_sc_gather_body(%arg0: i32, %arg1: i32, %arg2: memref<32x8x4xi32, #tpu.memory_space<hbm>>, %arg3: memref<100000x16x512xf32, #tpu.memory_space<hbm>>, %arg4: memref<1024x16x512xf32, #tpu.memory_space<hbm>>, %arg5: memref<8x4xi32, #tpu.memory_space<vmem>>, %arg6: memref<4x16x512xf32, #tpu.memory_space<vmem>>, %arg7: memref<4x16x512xf32, #tpu.memory_space<vmem>>, %arg8: memref<!tpu.dma_semaphore, #tpu.memory_space<semaphore_mem>>, %arg9: memref<!tpu.dma_semaphore, #tpu.memory_space<semaphore_mem>>) attributes {dimension_semantics = [#tpu.dimension_semantics<core_parallel>, #tpu.dimension_semantics<subcore_parallel>], iteration_bounds = array<i64: 2, 16>, scalar_prefetch = 0 : i64, scratch_operands = 5 : i64, tpu.core_type = #tpu.core_type<sc_vector_subcore>, window_params = [{transform_indices = #map}, {transform_indices = #map}, {transform_indices = #map}]} {
    %mul3A = arith.constant 16 : i32
    %mul3A_0 = arith.muli %arg0, %mul3A : i32
    %add3A = arith.addi %mul3A_0, %arg1 : i32
    %mul3A_1 = arith.constant 32 : i32
    %mul3A_2 = arith.muli %add3A, %mul3A_1 : i32
    "tpu.region"() ({
      %run_scoped3A = tpu.sem_alloc : memref<!tpu.dma_semaphore, #tpu.memory_space<semaphore_mem>>
      %dma_start3A_241 = arith.constant 0 : i32
      %dma_start3A_242 = arith.constant 0 : i32
      %dma_start3A_243 = tpu.memref_slice %arg2[%add3A, %dma_start3A_241, %dma_start3A_242] : memref<32x8x4xi32, #tpu.memory_space<hbm>> -> memref<1x8x4xi32, #tpu.memory_space<hbm>>
      %dma_start3A_244 = tpu.memref_squeeze %dma_start3A_243 : memref<1x8x4xi32, #tpu.memory_space<hbm>> -> memref<8x4xi32, #tpu.memory_space<hbm>>
      %dma_start3A_245 = arith.constant 0 : i32
      %dma_start3A_246 = arith.constant 0 : i32
      %dma_start3A_247 = tpu.memref_slice %arg2[%add3A, %dma_start3A_245, %dma_start3A_246] : memref<32x8x4xi32, #tpu.memory_space<hbm>> -> memref<1x8x4xi32, #tpu.memory_space<hbm>>
      %dma_start3A_248 = tpu.memref_squeeze %dma_start3A_247 : memref<1x8x4xi32, #tpu.memory_space<hbm>> -> memref<8x4xi32, #tpu.memory_space<hbm>>
      tpu.enqueue_dma source(%dma_start3A_248 : memref<8x4xi32, #tpu.memory_space<hbm>>) target(%arg5 : memref<8x4xi32, #tpu.memory_space<vmem>>) target_semaphore(%run_scoped3A : memref<!tpu.dma_semaphore, #tpu.memory_space<semaphore_mem>>)
      %dma_wait3A_249 = arith.constant 0 : i32
      %dma_wait3A_250 = arith.constant 0 : i32
      %dma_wait3A_251 = tpu.memref_slice %arg2[%add3A, %dma_wait3A_249, %dma_wait3A_250] : memref<32x8x4xi32, #tpu.memory_space<hbm>> -> memref<1x8x4xi32, #tpu.memory_space<hbm>>
      %dma_wait3A_252 = tpu.memref_squeeze %dma_wait3A_251 : memref<1x8x4xi32, #tpu.memory_space<hbm>> -> memref<8x4xi32, #tpu.memory_space<hbm>>
      %dma_wait3A_253 = arith.constant 0 : i32
      %dma_wait3A_254 = arith.constant 0 : i32
      %dma_wait3A_255 = tpu.memref_slice %arg2[%add3A, %dma_wait3A_253, %dma_wait3A_254] : memref<32x8x4xi32, #tpu.memory_space<hbm>> -> memref<1x8x4xi32, #tpu.memory_space<hbm>>
      %dma_wait3A_256 = tpu.memref_squeeze %dma_wait3A_255 : memref<1x8x4xi32, #tpu.memory_space<hbm>> -> memref<8x4xi32, #tpu.memory_space<hbm>>
      tpu.wait_dma2 semaphore(%run_scoped3A : memref<!tpu.dma_semaphore, #tpu.memory_space<semaphore_mem>>) src(%dma_wait3A_256 : memref<8x4xi32, #tpu.memory_space<hbm>>) dst(%arg5 : memref<8x4xi32, #tpu.memory_space<vmem>>)
      tpu.yield
    }) : () -> ()
    %dma_start3A = arith.constant 0 : i32
    %dma_start3A_3 = arith.constant 0 : i32
    %dma_start3A_4 = tpu.memref_slice %arg5[%dma_start3A, %dma_start3A_3] : memref<8x4xi32, #tpu.memory_space<vmem>> -> memref<1x4xi32, #tpu.memory_space<vmem>>
    %dma_start3A_5 = tpu.memref_squeeze %dma_start3A_4 : memref<1x4xi32, #tpu.memory_space<vmem>> -> memref<4xi32, #tpu.memory_space<vmem>>
    %dma_start3A_6 = arith.constant 0 : i32
    %dma_start3A_7 = arith.constant 0 : i32
    %dma_start3A_8 = arith.constant 0 : i32
    %dma_start3A_9 = tpu.memref_slice %arg3[%dma_start3A_6, %dma_start3A_7, %dma_start3A_8] : memref<100000x16x512xf32, #tpu.memory_space<hbm>> -> memref<100000x16x512xf32, #tpu.memory_space<hbm>>
    tpu.enqueue_indirect_dma source(%dma_start3A_9 : memref<100000x16x512xf32, #tpu.memory_space<hbm>>) target(%arg6 : memref<4x16x512xf32, #tpu.memory_space<vmem>>) offsets(%dma_start3A_5 : memref<4xi32, #tpu.memory_space<vmem>>) semaphore(%arg8 : memref<!tpu.dma_semaphore, #tpu.memory_space<semaphore_mem>>)
    %dma_start3A_10 = arith.constant 1 : i32
    %dma_start3A_11 = arith.constant 0 : i32
    %dma_start3A_12 = tpu.memref_slice %arg5[%dma_start3A_10, %dma_start3A_11] : memref<8x4xi32, #tpu.memory_space<vmem>> -> memref<1x4xi32, #tpu.memory_space<vmem>>
    %dma_start3A_13 = tpu.memref_squeeze %dma_start3A_12 : memref<1x4xi32, #tpu.memory_space<vmem>> -> memref<4xi32, #tpu.memory_space<vmem>>
    %dma_start3A_14 = arith.constant 0 : i32
    %dma_start3A_15 = arith.constant 0 : i32
    %dma_start3A_16 = arith.constant 0 : i32
    %dma_start3A_17 = tpu.memref_slice %arg3[%dma_start3A_14, %dma_start3A_15, %dma_start3A_16] : memref<100000x16x512xf32, #tpu.memory_space<hbm>> -> memref<100000x16x512xf32, #tpu.memory_space<hbm>>
    tpu.enqueue_indirect_dma source(%dma_start3A_17 : memref<100000x16x512xf32, #tpu.memory_space<hbm>>) target(%arg7 : memref<4x16x512xf32, #tpu.memory_space<vmem>>) offsets(%dma_start3A_13 : memref<4xi32, #tpu.memory_space<vmem>>) semaphore(%arg8 : memref<!tpu.dma_semaphore, #tpu.memory_space<semaphore_mem>>)
    %dma_wait3A = arith.constant 0 : i32
    %dma_wait3A_18 = arith.constant 0 : i32
    %dma_wait3A_19 = tpu.memref_slice %arg5[%dma_wait3A, %dma_wait3A_18] : memref<8x4xi32, #tpu.memory_space<vmem>> -> memref<1x4xi32, #tpu.memory_space<vmem>>
    %dma_wait3A_20 = tpu.memref_squeeze %dma_wait3A_19 : memref<1x4xi32, #tpu.memory_space<vmem>> -> memref<4xi32, #tpu.memory_space<vmem>>
    %dma_wait3A_21 = arith.constant 0 : i32
    %dma_wait3A_22 = arith.constant 0 : i32
    %dma_wait3A_23 = arith.constant 0 : i32
    %dma_wait3A_24 = tpu.memref_slice %arg3[%dma_wait3A_21, %dma_wait3A_22, %dma_wait3A_23] : memref<100000x16x512xf32, #tpu.memory_space<hbm>> -> memref<100000x16x512xf32, #tpu.memory_space<hbm>>
    tpu.wait_indirect_dma semaphore(%arg8 : memref<!tpu.dma_semaphore, #tpu.memory_space<semaphore_mem>>) src(%dma_wait3A_24 : memref<100000x16x512xf32, #tpu.memory_space<hbm>>) dst(%arg6 : memref<4x16x512xf32, #tpu.memory_space<vmem>>)
    %add3A_25 = arith.constant 0 : i32
    %add3A_26 = arith.addi %mul3A_2, %add3A_25 : i32
    %dma_start3A_27 = arith.constant 0 : i32
    %dma_start3A_28 = arith.constant 0 : i32
    %dma_start3A_29 = tpu.memref_slice %arg4[%add3A_26, %dma_start3A_27, %dma_start3A_28] : memref<1024x16x512xf32, #tpu.memory_space<hbm>> -> memref<4x16x512xf32, #tpu.memory_space<hbm>>
    %dma_start3A_30 = arith.constant 0 : i32
    %dma_start3A_31 = arith.constant 0 : i32
    %dma_start3A_32 = tpu.memref_slice %arg4[%add3A_26, %dma_start3A_30, %dma_start3A_31] : memref<1024x16x512xf32, #tpu.memory_space<hbm>> -> memref<4x16x512xf32, #tpu.memory_space<hbm>>
    tpu.enqueue_dma source(%arg6 : memref<4x16x512xf32, #tpu.memory_space<vmem>>) target(%dma_start3A_32 : memref<4x16x512xf32, #tpu.memory_space<hbm>>) target_semaphore(%arg9 : memref<!tpu.dma_semaphore, #tpu.memory_space<semaphore_mem>>)
    %dma_wait3A_33 = arith.constant 0 : i32
    %dma_wait3A_34 = arith.constant 0 : i32
    %dma_wait3A_35 = tpu.memref_slice %arg4[%add3A_26, %dma_wait3A_33, %dma_wait3A_34] : memref<1024x16x512xf32, #tpu.memory_space<hbm>> -> memref<4x16x512xf32, #tpu.memory_space<hbm>>
    %dma_wait3A_36 = arith.constant 0 : i32
    %dma_wait3A_37 = arith.constant 0 : i32
    %dma_wait3A_38 = tpu.memref_slice %arg4[%add3A_26, %dma_wait3A_36, %dma_wait3A_37] : memref<1024x16x512xf32, #tpu.memory_space<hbm>> -> memref<4x16x512xf32, #tpu.memory_space<hbm>>
    tpu.wait_dma2 semaphore(%arg9 : memref<!tpu.dma_semaphore, #tpu.memory_space<semaphore_mem>>) src(%arg6 : memref<4x16x512xf32, #tpu.memory_space<vmem>>) dst(%dma_wait3A_38 : memref<4x16x512xf32, #tpu.memory_space<hbm>>)
    %dma_start3A_39 = arith.constant 2 : i32
    %dma_start3A_40 = arith.constant 0 : i32
    %dma_start3A_41 = tpu.memref_slice %arg5[%dma_start3A_39, %dma_start3A_40] : memref<8x4xi32, #tpu.memory_space<vmem>> -> memref<1x4xi32, #tpu.memory_space<vmem>>
    %dma_start3A_42 = tpu.memref_squeeze %dma_start3A_41 : memref<1x4xi32, #tpu.memory_space<vmem>> -> memref<4xi32, #tpu.memory_space<vmem>>
    %dma_start3A_43 = arith.constant 0 : i32
    %dma_start3A_44 = arith.constant 0 : i32
    %dma_start3A_45 = arith.constant 0 : i32
    %dma_start3A_46 = tpu.memref_slice %arg3[%dma_start3A_43, %dma_start3A_44, %dma_start3A_45] : memref<100000x16x512xf32, #tpu.memory_space<hbm>> -> memref<100000x16x512xf32, #tpu.memory_space<hbm>>
    tpu.enqueue_indirect_dma source(%dma_start3A_46 : memref<100000x16x512xf32, #tpu.memory_space<hbm>>) target(%arg6 : memref<4x16x512xf32, #tpu.memory_space<vmem>>) offsets(%dma_start3A_42 : memref<4xi32, #tpu.memory_space<vmem>>) semaphore(%arg8 : memref<!tpu.dma_semaphore, #tpu.memory_space<semaphore_mem>>)
    %dma_wait3A_47 = arith.constant 1 : i32
    %dma_wait3A_48 = arith.constant 0 : i32
    %dma_wait3A_49 = tpu.memref_slice %arg5[%dma_wait3A_47, %dma_wait3A_48] : memref<8x4xi32, #tpu.memory_space<vmem>> -> memref<1x4xi32, #tpu.memory_space<vmem>>
    %dma_wait3A_50 = tpu.memref_squeeze %dma_wait3A_49 : memref<1x4xi32, #tpu.memory_space<vmem>> -> memref<4xi32, #tpu.memory_space<vmem>>
    %dma_wait3A_51 = arith.constant 0 : i32
    %dma_wait3A_52 = arith.constant 0 : i32
    %dma_wait3A_53 = arith.constant 0 : i32
    %dma_wait3A_54 = tpu.memref_slice %arg3[%dma_wait3A_51, %dma_wait3A_52, %dma_wait3A_53] : memref<100000x16x512xf32, #tpu.memory_space<hbm>> -> memref<100000x16x512xf32, #tpu.memory_space<hbm>>
    tpu.wait_indirect_dma semaphore(%arg8 : memref<!tpu.dma_semaphore, #tpu.memory_space<semaphore_mem>>) src(%dma_wait3A_54 : memref<100000x16x512xf32, #tpu.memory_space<hbm>>) dst(%arg7 : memref<4x16x512xf32, #tpu.memory_space<vmem>>)
    %add3A_55 = arith.constant 4 : i32
    %add3A_56 = arith.addi %mul3A_2, %add3A_55 : i32
    %dma_start3A_57 = arith.constant 0 : i32
    %dma_start3A_58 = arith.constant 0 : i32
    %dma_start3A_59 = tpu.memref_slice %arg4[%add3A_56, %dma_start3A_57, %dma_start3A_58] : memref<1024x16x512xf32, #tpu.memory_space<hbm>> -> memref<4x16x512xf32, #tpu.memory_space<hbm>>
    %dma_start3A_60 = arith.constant 0 : i32
    %dma_start3A_61 = arith.constant 0 : i32
    %dma_start3A_62 = tpu.memref_slice %arg4[%add3A_56, %dma_start3A_60, %dma_start3A_61] : memref<1024x16x512xf32, #tpu.memory_space<hbm>> -> memref<4x16x512xf32, #tpu.memory_space<hbm>>
    tpu.enqueue_dma source(%arg7 : memref<4x16x512xf32, #tpu.memory_space<vmem>>) target(%dma_start3A_62 : memref<4x16x512xf32, #tpu.memory_space<hbm>>) target_semaphore(%arg9 : memref<!tpu.dma_semaphore, #tpu.memory_space<semaphore_mem>>)
    %dma_wait3A_63 = arith.constant 0 : i32
    %dma_wait3A_64 = arith.constant 0 : i32
    %dma_wait3A_65 = tpu.memref_slice %arg4[%add3A_56, %dma_wait3A_63, %dma_wait3A_64] : memref<1024x16x512xf32, #tpu.memory_space<hbm>> -> memref<4x16x512xf32, #tpu.memory_space<hbm>>
    %dma_wait3A_66 = arith.constant 0 : i32
    %dma_wait3A_67 = arith.constant 0 : i32
    %dma_wait3A_68 = tpu.memref_slice %arg4[%add3A_56, %dma_wait3A_66, %dma_wait3A_67] : memref<1024x16x512xf32, #tpu.memory_space<hbm>> -> memref<4x16x512xf32, #tpu.memory_space<hbm>>
    tpu.wait_dma2 semaphore(%arg9 : memref<!tpu.dma_semaphore, #tpu.memory_space<semaphore_mem>>) src(%arg7 : memref<4x16x512xf32, #tpu.memory_space<vmem>>) dst(%dma_wait3A_68 : memref<4x16x512xf32, #tpu.memory_space<hbm>>)
    %dma_start3A_69 = arith.constant 3 : i32
    %dma_start3A_70 = arith.constant 0 : i32
    %dma_start3A_71 = tpu.memref_slice %arg5[%dma_start3A_69, %dma_start3A_70] : memref<8x4xi32, #tpu.memory_space<vmem>> -> memref<1x4xi32, #tpu.memory_space<vmem>>
    %dma_start3A_72 = tpu.memref_squeeze %dma_start3A_71 : memref<1x4xi32, #tpu.memory_space<vmem>> -> memref<4xi32, #tpu.memory_space<vmem>>
    %dma_start3A_73 = arith.constant 0 : i32
    %dma_start3A_74 = arith.constant 0 : i32
    %dma_start3A_75 = arith.constant 0 : i32
    %dma_start3A_76 = tpu.memref_slice %arg3[%dma_start3A_73, %dma_start3A_74, %dma_start3A_75] : memref<100000x16x512xf32, #tpu.memory_space<hbm>> -> memref<100000x16x512xf32, #tpu.memory_space<hbm>>
    tpu.enqueue_indirect_dma source(%dma_start3A_76 : memref<100000x16x512xf32, #tpu.memory_space<hbm>>) target(%arg7 : memref<4x16x512xf32, #tpu.memory_space<vmem>>) offsets(%dma_start3A_72 : memref<4xi32, #tpu.memory_space<vmem>>) semaphore(%arg8 : memref<!tpu.dma_semaphore, #tpu.memory_space<semaphore_mem>>)
    %dma_wait3A_77 = arith.constant 2 : i32
    %dma_wait3A_78 = arith.constant 0 : i32
    %dma_wait3A_79 = tpu.memref_slice %arg5[%dma_wait3A_77, %dma_wait3A_78] : memref<8x4xi32, #tpu.memory_space<vmem>> -> memref<1x4xi32, #tpu.memory_space<vmem>>
    %dma_wait3A_80 = tpu.memref_squeeze %dma_wait3A_79 : memref<1x4xi32, #tpu.memory_space<vmem>> -> memref<4xi32, #tpu.memory_space<vmem>>
    %dma_wait3A_81 = arith.constant 0 : i32
    %dma_wait3A_82 = arith.constant 0 : i32
    %dma_wait3A_83 = arith.constant 0 : i32
    %dma_wait3A_84 = tpu.memref_slice %arg3[%dma_wait3A_81, %dma_wait3A_82, %dma_wait3A_83] : memref<100000x16x512xf32, #tpu.memory_space<hbm>> -> memref<100000x16x512xf32, #tpu.memory_space<hbm>>
    tpu.wait_indirect_dma semaphore(%arg8 : memref<!tpu.dma_semaphore, #tpu.memory_space<semaphore_mem>>) src(%dma_wait3A_84 : memref<100000x16x512xf32, #tpu.memory_space<hbm>>) dst(%arg6 : memref<4x16x512xf32, #tpu.memory_space<vmem>>)
    %add3A_85 = arith.constant 8 : i32
    %add3A_86 = arith.addi %mul3A_2, %add3A_85 : i32
    %dma_start3A_87 = arith.constant 0 : i32
    %dma_start3A_88 = arith.constant 0 : i32
    %dma_start3A_89 = tpu.memref_slice %arg4[%add3A_86, %dma_start3A_87, %dma_start3A_88] : memref<1024x16x512xf32, #tpu.memory_space<hbm>> -> memref<4x16x512xf32, #tpu.memory_space<hbm>>
    %dma_start3A_90 = arith.constant 0 : i32
    %dma_start3A_91 = arith.constant 0 : i32
    %dma_start3A_92 = tpu.memref_slice %arg4[%add3A_86, %dma_start3A_90, %dma_start3A_91] : memref<1024x16x512xf32, #tpu.memory_space<hbm>> -> memref<4x16x512xf32, #tpu.memory_space<hbm>>
    tpu.enqueue_dma source(%arg6 : memref<4x16x512xf32, #tpu.memory_space<vmem>>) target(%dma_start3A_92 : memref<4x16x512xf32, #tpu.memory_space<hbm>>) target_semaphore(%arg9 : memref<!tpu.dma_semaphore, #tpu.memory_space<semaphore_mem>>)
    %dma_wait3A_93 = arith.constant 0 : i32
    %dma_wait3A_94 = arith.constant 0 : i32
    %dma_wait3A_95 = tpu.memref_slice %arg4[%add3A_86, %dma_wait3A_93, %dma_wait3A_94] : memref<1024x16x512xf32, #tpu.memory_space<hbm>> -> memref<4x16x512xf32, #tpu.memory_space<hbm>>
    %dma_wait3A_96 = arith.constant 0 : i32
    %dma_wait3A_97 = arith.constant 0 : i32
    %dma_wait3A_98 = tpu.memref_slice %arg4[%add3A_86, %dma_wait3A_96, %dma_wait3A_97] : memref<1024x16x512xf32, #tpu.memory_space<hbm>> -> memref<4x16x512xf32, #tpu.memory_space<hbm>>
    tpu.wait_dma2 semaphore(%arg9 : memref<!tpu.dma_semaphore, #tpu.memory_space<semaphore_mem>>) src(%arg6 : memref<4x16x512xf32, #tpu.memory_space<vmem>>) dst(%dma_wait3A_98 : memref<4x16x512xf32, #tpu.memory_space<hbm>>)
    %dma_start3A_99 = arith.constant 4 : i32
    %dma_start3A_100 = arith.constant 0 : i32
    %dma_start3A_101 = tpu.memref_slice %arg5[%dma_start3A_99, %dma_start3A_100] : memref<8x4xi32, #tpu.memory_space<vmem>> -> memref<1x4xi32, #tpu.memory_space<vmem>>
    %dma_start3A_102 = tpu.memref_squeeze %dma_start3A_101 : memref<1x4xi32, #tpu.memory_space<vmem>> -> memref<4xi32, #tpu.memory_space<vmem>>
    %dma_start3A_103 = arith.constant 0 : i32
    %dma_start3A_104 = arith.constant 0 : i32
    %dma_start3A_105 = arith.constant 0 : i32
    %dma_start3A_106 = tpu.memref_slice %arg3[%dma_start3A_103, %dma_start3A_104, %dma_start3A_105] : memref<100000x16x512xf32, #tpu.memory_space<hbm>> -> memref<100000x16x512xf32, #tpu.memory_space<hbm>>
    tpu.enqueue_indirect_dma source(%dma_start3A_106 : memref<100000x16x512xf32, #tpu.memory_space<hbm>>) target(%arg6 : memref<4x16x512xf32, #tpu.memory_space<vmem>>) offsets(%dma_start3A_102 : memref<4xi32, #tpu.memory_space<vmem>>) semaphore(%arg8 : memref<!tpu.dma_semaphore, #tpu.memory_space<semaphore_mem>>)
    %dma_wait3A_107 = arith.constant 3 : i32
    %dma_wait3A_108 = arith.constant 0 : i32
    %dma_wait3A_109 = tpu.memref_slice %arg5[%dma_wait3A_107, %dma_wait3A_108] : memref<8x4xi32, #tpu.memory_space<vmem>> -> memref<1x4xi32, #tpu.memory_space<vmem>>
    %dma_wait3A_110 = tpu.memref_squeeze %dma_wait3A_109 : memref<1x4xi32, #tpu.memory_space<vmem>> -> memref<4xi32, #tpu.memory_space<vmem>>
    %dma_wait3A_111 = arith.constant 0 : i32
    %dma_wait3A_112 = arith.constant 0 : i32
    %dma_wait3A_113 = arith.constant 0 : i32
    %dma_wait3A_114 = tpu.memref_slice %arg3[%dma_wait3A_111, %dma_wait3A_112, %dma_wait3A_113] : memref<100000x16x512xf32, #tpu.memory_space<hbm>> -> memref<100000x16x512xf32, #tpu.memory_space<hbm>>
    tpu.wait_indirect_dma semaphore(%arg8 : memref<!tpu.dma_semaphore, #tpu.memory_space<semaphore_mem>>) src(%dma_wait3A_114 : memref<100000x16x512xf32, #tpu.memory_space<hbm>>) dst(%arg7 : memref<4x16x512xf32, #tpu.memory_space<vmem>>)
    %add3A_115 = arith.constant 12 : i32
    %add3A_116 = arith.addi %mul3A_2, %add3A_115 : i32
    %dma_start3A_117 = arith.constant 0 : i32
    %dma_start3A_118 = arith.constant 0 : i32
    %dma_start3A_119 = tpu.memref_slice %arg4[%add3A_116, %dma_start3A_117, %dma_start3A_118] : memref<1024x16x512xf32, #tpu.memory_space<hbm>> -> memref<4x16x512xf32, #tpu.memory_space<hbm>>
    %dma_start3A_120 = arith.constant 0 : i32
    %dma_start3A_121 = arith.constant 0 : i32
    %dma_start3A_122 = tpu.memref_slice %arg4[%add3A_116, %dma_start3A_120, %dma_start3A_121] : memref<1024x16x512xf32, #tpu.memory_space<hbm>> -> memref<4x16x512xf32, #tpu.memory_space<hbm>>
    tpu.enqueue_dma source(%arg7 : memref<4x16x512xf32, #tpu.memory_space<vmem>>) target(%dma_start3A_122 : memref<4x16x512xf32, #tpu.memory_space<hbm>>) target_semaphore(%arg9 : memref<!tpu.dma_semaphore, #tpu.memory_space<semaphore_mem>>)
    %dma_wait3A_123 = arith.constant 0 : i32
    %dma_wait3A_124 = arith.constant 0 : i32
    %dma_wait3A_125 = tpu.memref_slice %arg4[%add3A_116, %dma_wait3A_123, %dma_wait3A_124] : memref<1024x16x512xf32, #tpu.memory_space<hbm>> -> memref<4x16x512xf32, #tpu.memory_space<hbm>>
    %dma_wait3A_126 = arith.constant 0 : i32
    %dma_wait3A_127 = arith.constant 0 : i32
    %dma_wait3A_128 = tpu.memref_slice %arg4[%add3A_116, %dma_wait3A_126, %dma_wait3A_127] : memref<1024x16x512xf32, #tpu.memory_space<hbm>> -> memref<4x16x512xf32, #tpu.memory_space<hbm>>
    tpu.wait_dma2 semaphore(%arg9 : memref<!tpu.dma_semaphore, #tpu.memory_space<semaphore_mem>>) src(%arg7 : memref<4x16x512xf32, #tpu.memory_space<vmem>>) dst(%dma_wait3A_128 : memref<4x16x512xf32, #tpu.memory_space<hbm>>)
    %dma_start3A_129 = arith.constant 5 : i32
    %dma_start3A_130 = arith.constant 0 : i32
    %dma_start3A_131 = tpu.memref_slice %arg5[%dma_start3A_129, %dma_start3A_130] : memref<8x4xi32, #tpu.memory_space<vmem>> -> memref<1x4xi32, #tpu.memory_space<vmem>>
    %dma_start3A_132 = tpu.memref_squeeze %dma_start3A_131 : memref<1x4xi32, #tpu.memory_space<vmem>> -> memref<4xi32, #tpu.memory_space<vmem>>
    %dma_start3A_133 = arith.constant 0 : i32
    %dma_start3A_134 = arith.constant 0 : i32
    %dma_start3A_135 = arith.constant 0 : i32
    %dma_start3A_136 = tpu.memref_slice %arg3[%dma_start3A_133, %dma_start3A_134, %dma_start3A_135] : memref<100000x16x512xf32, #tpu.memory_space<hbm>> -> memref<100000x16x512xf32, #tpu.memory_space<hbm>>
    tpu.enqueue_indirect_dma source(%dma_start3A_136 : memref<100000x16x512xf32, #tpu.memory_space<hbm>>) target(%arg7 : memref<4x16x512xf32, #tpu.memory_space<vmem>>) offsets(%dma_start3A_132 : memref<4xi32, #tpu.memory_space<vmem>>) semaphore(%arg8 : memref<!tpu.dma_semaphore, #tpu.memory_space<semaphore_mem>>)
    %dma_wait3A_137 = arith.constant 4 : i32
    %dma_wait3A_138 = arith.constant 0 : i32
    %dma_wait3A_139 = tpu.memref_slice %arg5[%dma_wait3A_137, %dma_wait3A_138] : memref<8x4xi32, #tpu.memory_space<vmem>> -> memref<1x4xi32, #tpu.memory_space<vmem>>
    %dma_wait3A_140 = tpu.memref_squeeze %dma_wait3A_139 : memref<1x4xi32, #tpu.memory_space<vmem>> -> memref<4xi32, #tpu.memory_space<vmem>>
    %dma_wait3A_141 = arith.constant 0 : i32
    %dma_wait3A_142 = arith.constant 0 : i32
    %dma_wait3A_143 = arith.constant 0 : i32
    %dma_wait3A_144 = tpu.memref_slice %arg3[%dma_wait3A_141, %dma_wait3A_142, %dma_wait3A_143] : memref<100000x16x512xf32, #tpu.memory_space<hbm>> -> memref<100000x16x512xf32, #tpu.memory_space<hbm>>
    tpu.wait_indirect_dma semaphore(%arg8 : memref<!tpu.dma_semaphore, #tpu.memory_space<semaphore_mem>>) src(%dma_wait3A_144 : memref<100000x16x512xf32, #tpu.memory_space<hbm>>) dst(%arg6 : memref<4x16x512xf32, #tpu.memory_space<vmem>>)
    %add3A_145 = arith.constant 16 : i32
    %add3A_146 = arith.addi %mul3A_2, %add3A_145 : i32
    %dma_start3A_147 = arith.constant 0 : i32
    %dma_start3A_148 = arith.constant 0 : i32
    %dma_start3A_149 = tpu.memref_slice %arg4[%add3A_146, %dma_start3A_147, %dma_start3A_148] : memref<1024x16x512xf32, #tpu.memory_space<hbm>> -> memref<4x16x512xf32, #tpu.memory_space<hbm>>
    %dma_start3A_150 = arith.constant 0 : i32
    %dma_start3A_151 = arith.constant 0 : i32
    %dma_start3A_152 = tpu.memref_slice %arg4[%add3A_146, %dma_start3A_150, %dma_start3A_151] : memref<1024x16x512xf32, #tpu.memory_space<hbm>> -> memref<4x16x512xf32, #tpu.memory_space<hbm>>
    tpu.enqueue_dma source(%arg6 : memref<4x16x512xf32, #tpu.memory_space<vmem>>) target(%dma_start3A_152 : memref<4x16x512xf32, #tpu.memory_space<hbm>>) target_semaphore(%arg9 : memref<!tpu.dma_semaphore, #tpu.memory_space<semaphore_mem>>)
    %dma_wait3A_153 = arith.constant 0 : i32
    %dma_wait3A_154 = arith.constant 0 : i32
    %dma_wait3A_155 = tpu.memref_slice %arg4[%add3A_146, %dma_wait3A_153, %dma_wait3A_154] : memref<1024x16x512xf32, #tpu.memory_space<hbm>> -> memref<4x16x512xf32, #tpu.memory_space<hbm>>
    %dma_wait3A_156 = arith.constant 0 : i32
    %dma_wait3A_157 = arith.constant 0 : i32
    %dma_wait3A_158 = tpu.memref_slice %arg4[%add3A_146, %dma_wait3A_156, %dma_wait3A_157] : memref<1024x16x512xf32, #tpu.memory_space<hbm>> -> memref<4x16x512xf32, #tpu.memory_space<hbm>>
    tpu.wait_dma2 semaphore(%arg9 : memref<!tpu.dma_semaphore, #tpu.memory_space<semaphore_mem>>) src(%arg6 : memref<4x16x512xf32, #tpu.memory_space<vmem>>) dst(%dma_wait3A_158 : memref<4x16x512xf32, #tpu.memory_space<hbm>>)
    %dma_start3A_159 = arith.constant 6 : i32
    %dma_start3A_160 = arith.constant 0 : i32
    %dma_start3A_161 = tpu.memref_slice %arg5[%dma_start3A_159, %dma_start3A_160] : memref<8x4xi32, #tpu.memory_space<vmem>> -> memref<1x4xi32, #tpu.memory_space<vmem>>
    %dma_start3A_162 = tpu.memref_squeeze %dma_start3A_161 : memref<1x4xi32, #tpu.memory_space<vmem>> -> memref<4xi32, #tpu.memory_space<vmem>>
    %dma_start3A_163 = arith.constant 0 : i32
    %dma_start3A_164 = arith.constant 0 : i32
    %dma_start3A_165 = arith.constant 0 : i32
    %dma_start3A_166 = tpu.memref_slice %arg3[%dma_start3A_163, %dma_start3A_164, %dma_start3A_165] : memref<100000x16x512xf32, #tpu.memory_space<hbm>> -> memref<100000x16x512xf32, #tpu.memory_space<hbm>>
    tpu.enqueue_indirect_dma source(%dma_start3A_166 : memref<100000x16x512xf32, #tpu.memory_space<hbm>>) target(%arg6 : memref<4x16x512xf32, #tpu.memory_space<vmem>>) offsets(%dma_start3A_162 : memref<4xi32, #tpu.memory_space<vmem>>) semaphore(%arg8 : memref<!tpu.dma_semaphore, #tpu.memory_space<semaphore_mem>>)
    %dma_wait3A_167 = arith.constant 5 : i32
    %dma_wait3A_168 = arith.constant 0 : i32
    %dma_wait3A_169 = tpu.memref_slice %arg5[%dma_wait3A_167, %dma_wait3A_168] : memref<8x4xi32, #tpu.memory_space<vmem>> -> memref<1x4xi32, #tpu.memory_space<vmem>>
    %dma_wait3A_170 = tpu.memref_squeeze %dma_wait3A_169 : memref<1x4xi32, #tpu.memory_space<vmem>> -> memref<4xi32, #tpu.memory_space<vmem>>
    %dma_wait3A_171 = arith.constant 0 : i32
    %dma_wait3A_172 = arith.constant 0 : i32
    %dma_wait3A_173 = arith.constant 0 : i32
    %dma_wait3A_174 = tpu.memref_slice %arg3[%dma_wait3A_171, %dma_wait3A_172, %dma_wait3A_173] : memref<100000x16x512xf32, #tpu.memory_space<hbm>> -> memref<100000x16x512xf32, #tpu.memory_space<hbm>>
    tpu.wait_indirect_dma semaphore(%arg8 : memref<!tpu.dma_semaphore, #tpu.memory_space<semaphore_mem>>) src(%dma_wait3A_174 : memref<100000x16x512xf32, #tpu.memory_space<hbm>>) dst(%arg7 : memref<4x16x512xf32, #tpu.memory_space<vmem>>)
    %add3A_175 = arith.constant 20 : i32
    %add3A_176 = arith.addi %mul3A_2, %add3A_175 : i32
    %dma_start3A_177 = arith.constant 0 : i32
    %dma_start3A_178 = arith.constant 0 : i32
    %dma_start3A_179 = tpu.memref_slice %arg4[%add3A_176, %dma_start3A_177, %dma_start3A_178] : memref<1024x16x512xf32, #tpu.memory_space<hbm>> -> memref<4x16x512xf32, #tpu.memory_space<hbm>>
    %dma_start3A_180 = arith.constant 0 : i32
    %dma_start3A_181 = arith.constant 0 : i32
    %dma_start3A_182 = tpu.memref_slice %arg4[%add3A_176, %dma_start3A_180, %dma_start3A_181] : memref<1024x16x512xf32, #tpu.memory_space<hbm>> -> memref<4x16x512xf32, #tpu.memory_space<hbm>>
    tpu.enqueue_dma source(%arg7 : memref<4x16x512xf32, #tpu.memory_space<vmem>>) target(%dma_start3A_182 : memref<4x16x512xf32, #tpu.memory_space<hbm>>) target_semaphore(%arg9 : memref<!tpu.dma_semaphore, #tpu.memory_space<semaphore_mem>>)
    %dma_wait3A_183 = arith.constant 0 : i32
    %dma_wait3A_184 = arith.constant 0 : i32
    %dma_wait3A_185 = tpu.memref_slice %arg4[%add3A_176, %dma_wait3A_183, %dma_wait3A_184] : memref<1024x16x512xf32, #tpu.memory_space<hbm>> -> memref<4x16x512xf32, #tpu.memory_space<hbm>>
    %dma_wait3A_186 = arith.constant 0 : i32
    %dma_wait3A_187 = arith.constant 0 : i32
    %dma_wait3A_188 = tpu.memref_slice %arg4[%add3A_176, %dma_wait3A_186, %dma_wait3A_187] : memref<1024x16x512xf32, #tpu.memory_space<hbm>> -> memref<4x16x512xf32, #tpu.memory_space<hbm>>
    tpu.wait_dma2 semaphore(%arg9 : memref<!tpu.dma_semaphore, #tpu.memory_space<semaphore_mem>>) src(%arg7 : memref<4x16x512xf32, #tpu.memory_space<vmem>>) dst(%dma_wait3A_188 : memref<4x16x512xf32, #tpu.memory_space<hbm>>)
    %dma_start3A_189 = arith.constant 7 : i32
    %dma_start3A_190 = arith.constant 0 : i32
    %dma_start3A_191 = tpu.memref_slice %arg5[%dma_start3A_189, %dma_start3A_190] : memref<8x4xi32, #tpu.memory_space<vmem>> -> memref<1x4xi32, #tpu.memory_space<vmem>>
    %dma_start3A_192 = tpu.memref_squeeze %dma_start3A_191 : memref<1x4xi32, #tpu.memory_space<vmem>> -> memref<4xi32, #tpu.memory_space<vmem>>
    %dma_start3A_193 = arith.constant 0 : i32
    %dma_start3A_194 = arith.constant 0 : i32
    %dma_start3A_195 = arith.constant 0 : i32
    %dma_start3A_196 = tpu.memref_slice %arg3[%dma_start3A_193, %dma_start3A_194, %dma_start3A_195] : memref<100000x16x512xf32, #tpu.memory_space<hbm>> -> memref<100000x16x512xf32, #tpu.memory_space<hbm>>
    tpu.enqueue_indirect_dma source(%dma_start3A_196 : memref<100000x16x512xf32, #tpu.memory_space<hbm>>) target(%arg7 : memref<4x16x512xf32, #tpu.memory_space<vmem>>) offsets(%dma_start3A_192 : memref<4xi32, #tpu.memory_space<vmem>>) semaphore(%arg8 : memref<!tpu.dma_semaphore, #tpu.memory_space<semaphore_mem>>)
    %dma_wait3A_197 = arith.constant 6 : i32
    %dma_wait3A_198 = arith.constant 0 : i32
    %dma_wait3A_199 = tpu.memref_slice %arg5[%dma_wait3A_197, %dma_wait3A_198] : memref<8x4xi32, #tpu.memory_space<vmem>> -> memref<1x4xi32, #tpu.memory_space<vmem>>
    %dma_wait3A_200 = tpu.memref_squeeze %dma_wait3A_199 : memref<1x4xi32, #tpu.memory_space<vmem>> -> memref<4xi32, #tpu.memory_space<vmem>>
    %dma_wait3A_201 = arith.constant 0 : i32
    %dma_wait3A_202 = arith.constant 0 : i32
    %dma_wait3A_203 = arith.constant 0 : i32
    %dma_wait3A_204 = tpu.memref_slice %arg3[%dma_wait3A_201, %dma_wait3A_202, %dma_wait3A_203] : memref<100000x16x512xf32, #tpu.memory_space<hbm>> -> memref<100000x16x512xf32, #tpu.memory_space<hbm>>
    tpu.wait_indirect_dma semaphore(%arg8 : memref<!tpu.dma_semaphore, #tpu.memory_space<semaphore_mem>>) src(%dma_wait3A_204 : memref<100000x16x512xf32, #tpu.memory_space<hbm>>) dst(%arg6 : memref<4x16x512xf32, #tpu.memory_space<vmem>>)
    %add3A_205 = arith.constant 24 : i32
    %add3A_206 = arith.addi %mul3A_2, %add3A_205 : i32
    %dma_start3A_207 = arith.constant 0 : i32
    %dma_start3A_208 = arith.constant 0 : i32
    %dma_start3A_209 = tpu.memref_slice %arg4[%add3A_206, %dma_start3A_207, %dma_start3A_208] : memref<1024x16x512xf32, #tpu.memory_space<hbm>> -> memref<4x16x512xf32, #tpu.memory_space<hbm>>
    %dma_start3A_210 = arith.constant 0 : i32
    %dma_start3A_211 = arith.constant 0 : i32
    %dma_start3A_212 = tpu.memref_slice %arg4[%add3A_206, %dma_start3A_210, %dma_start3A_211] : memref<1024x16x512xf32, #tpu.memory_space<hbm>> -> memref<4x16x512xf32, #tpu.memory_space<hbm>>
    tpu.enqueue_dma source(%arg6 : memref<4x16x512xf32, #tpu.memory_space<vmem>>) target(%dma_start3A_212 : memref<4x16x512xf32, #tpu.memory_space<hbm>>) target_semaphore(%arg9 : memref<!tpu.dma_semaphore, #tpu.memory_space<semaphore_mem>>)
    %dma_wait3A_213 = arith.constant 7 : i32
    %dma_wait3A_214 = arith.constant 0 : i32
    %dma_wait3A_215 = tpu.memref_slice %arg5[%dma_wait3A_213, %dma_wait3A_214] : memref<8x4xi32, #tpu.memory_space<vmem>> -> memref<1x4xi32, #tpu.memory_space<vmem>>
    %dma_wait3A_216 = tpu.memref_squeeze %dma_wait3A_215 : memref<1x4xi32, #tpu.memory_space<vmem>> -> memref<4xi32, #tpu.memory_space<vmem>>
    %dma_wait3A_217 = arith.constant 0 : i32
    %dma_wait3A_218 = arith.constant 0 : i32
    %dma_wait3A_219 = arith.constant 0 : i32
    %dma_wait3A_220 = tpu.memref_slice %arg3[%dma_wait3A_217, %dma_wait3A_218, %dma_wait3A_219] : memref<100000x16x512xf32, #tpu.memory_space<hbm>> -> memref<100000x16x512xf32, #tpu.memory_space<hbm>>
    tpu.wait_indirect_dma semaphore(%arg8 : memref<!tpu.dma_semaphore, #tpu.memory_space<semaphore_mem>>) src(%dma_wait3A_220 : memref<100000x16x512xf32, #tpu.memory_space<hbm>>) dst(%arg7 : memref<4x16x512xf32, #tpu.memory_space<vmem>>)
    %add3A_221 = arith.constant 28 : i32
    %add3A_222 = arith.addi %mul3A_2, %add3A_221 : i32
    %dma_start3A_223 = arith.constant 0 : i32
    %dma_start3A_224 = arith.constant 0 : i32
    %dma_start3A_225 = tpu.memref_slice %arg4[%add3A_222, %dma_start3A_223, %dma_start3A_224] : memref<1024x16x512xf32, #tpu.memory_space<hbm>> -> memref<4x16x512xf32, #tpu.memory_space<hbm>>
    %dma_start3A_226 = arith.constant 0 : i32
    %dma_start3A_227 = arith.constant 0 : i32
    %dma_start3A_228 = tpu.memref_slice %arg4[%add3A_222, %dma_start3A_226, %dma_start3A_227] : memref<1024x16x512xf32, #tpu.memory_space<hbm>> -> memref<4x16x512xf32, #tpu.memory_space<hbm>>
    tpu.enqueue_dma source(%arg7 : memref<4x16x512xf32, #tpu.memory_space<vmem>>) target(%dma_start3A_228 : memref<4x16x512xf32, #tpu.memory_space<hbm>>) target_semaphore(%arg9 : memref<!tpu.dma_semaphore, #tpu.memory_space<semaphore_mem>>)
    %dma_wait3A_229 = arith.constant 0 : i32
    %dma_wait3A_230 = arith.constant 0 : i32
    %dma_wait3A_231 = tpu.memref_slice %arg4[%add3A_206, %dma_wait3A_229, %dma_wait3A_230] : memref<1024x16x512xf32, #tpu.memory_space<hbm>> -> memref<4x16x512xf32, #tpu.memory_space<hbm>>
    %dma_wait3A_232 = arith.constant 0 : i32
    %dma_wait3A_233 = arith.constant 0 : i32
    %dma_wait3A_234 = tpu.memref_slice %arg4[%add3A_206, %dma_wait3A_232, %dma_wait3A_233] : memref<1024x16x512xf32, #tpu.memory_space<hbm>> -> memref<4x16x512xf32, #tpu.memory_space<hbm>>
    tpu.wait_dma2 semaphore(%arg9 : memref<!tpu.dma_semaphore, #tpu.memory_space<semaphore_mem>>) src(%arg6 : memref<4x16x512xf32, #tpu.memory_space<vmem>>) dst(%dma_wait3A_234 : memref<4x16x512xf32, #tpu.memory_space<hbm>>)
    %dma_wait3A_235 = arith.constant 0 : i32
    %dma_wait3A_236 = arith.constant 0 : i32
    %dma_wait3A_237 = tpu.memref_slice %arg4[%add3A_222, %dma_wait3A_235, %dma_wait3A_236] : memref<1024x16x512xf32, #tpu.memory_space<hbm>> -> memref<4x16x512xf32, #tpu.memory_space<hbm>>
    %dma_wait3A_238 = arith.constant 0 : i32
    %dma_wait3A_239 = arith.constant 0 : i32
    %dma_wait3A_240 = tpu.memref_slice %arg4[%add3A_222, %dma_wait3A_238, %dma_wait3A_239] : memref<1024x16x512xf32, #tpu.memory_space<hbm>> -> memref<4x16x512xf32, #tpu.memory_space<hbm>>
    tpu.wait_dma2 semaphore(%arg9 : memref<!tpu.dma_semaphore, #tpu.memory_space<semaphore_mem>>) src(%arg7 : memref<4x16x512xf32, #tpu.memory_space<vmem>>) dst(%dma_wait3A_240 : memref<4x16x512xf32, #tpu.memory_space<hbm>>)
    return
  }
}

module attributes {stable_mosaic.version = 14 : i64} {
  func.func @_tc_assemble_body(%arg0: i32, %arg1: memref<64x16x512xf32, #tpu.memory_space<vmem>>, %arg2: memref<64x1xf32, #tpu.memory_space<vmem>>, %arg3: memref<6x512xf32, #tpu.memory_space<vmem>>, %arg4: memref<55x512xf32, #tpu.memory_space<vmem>>, %arg5: memref<1x512xf32, #tpu.memory_space<vmem>>, %arg6: memref<64x77x512xf32, #tpu.memory_space<vmem>>) attributes {dimension_semantics = [#tpu.dimension_semantics<arbitrary>], iteration_bounds = array<i64: 16>, scalar_prefetch = 0 : i64, scratch_operands = 0 : i64, tpu.core_type = #tpu.core_type<tc>, window_params = [{transform_indices = @transform_0, window_bounds = array<i64: 64, 16, 512>}, {transform_indices = @transform_1, window_bounds = array<i64: 64, 1>}, {pipeline_mode = #tpu.pipeline_mode<synchronous>, transform_indices = @transform_2, window_bounds = array<i64: 6, 512>}, {pipeline_mode = #tpu.pipeline_mode<synchronous>, transform_indices = @transform_3, window_bounds = array<i64: 55, 512>}, {pipeline_mode = #tpu.pipeline_mode<synchronous>, transform_indices = @transform_4, window_bounds = array<i64: 1, 512>}, {transform_indices = @transform_5, window_bounds = array<i64: 64, 77, 512>}]} {
    %get3A = arith.constant 0 : index
    %get3A_0 = arith.constant 0 : index
    %get3A_1 = arith.constant 0 : index
    %get3A_2 = vector.load %arg1[%get3A, %get3A_0, %get3A_1] : memref<64x16x512xf32, #tpu.memory_space<vmem>>, vector<64x16x512xf32>
    %reshape3A = vector.shape_cast %get3A_2 : vector<64x16x512xf32> to vector<1024x512xf32>
    %get3A_3 = arith.constant 0 : index
    %get3A_4 = arith.constant 0 : index
    %get3A_5 = vector.load %arg5[%get3A_3, %get3A_4] : memref<1x512xf32, #tpu.memory_space<vmem>>, vector<1x512xf32>
    %reshape3A_6 = vector.shape_cast %get3A_5 : vector<1x512xf32> to vector<512x1xf32>
    %dot_general3A = arith.constant dense<0.000000e+00> : vector<1024x1xf32>
    %dot_general3A_7 = tpu.matmul %reshape3A, %reshape3A_6, %dot_general3A {dimension_numbers = #tpu.dot_dimension_numbers<[1], [0], [0], [1], [0, 0, 1, 1], [], []>, transpose_lhs_hint = false} : vector<1024x512xf32>, vector<512x1xf32>, vector<1024x1xf32> -> vector<1024x1xf32>
    %get3A_8 = arith.constant 0 : index
    %get3A_9 = arith.constant 0 : index
    %get3A_10 = vector.load %arg2[%get3A_8, %get3A_9] : memref<64x1xf32, #tpu.memory_space<vmem>>, vector<64x1xf32>
    %reshape3A_11 = vector.shape_cast %get3A_10 : vector<64x1xf32> to vector<64x1x1xf32>
    %broadcast_in_dim3A = vector.shape_cast %reshape3A_11 : vector<64x1x1xf32> to vector<64x1x1xf32>
    %broadcast_in_dim3A_12 = vector.broadcast %broadcast_in_dim3A : vector<64x1x1xf32> to vector<64x16x1xf32>
    %reshape3A_13 = vector.shape_cast %broadcast_in_dim3A_12 : vector<64x16x1xf32> to vector<1024x1xf32>
    %mul3A = arith.mulf %dot_general3A_7, %reshape3A_13 : vector<1024x1xf32>
    %mul3A_14 = vector.broadcast %mul3A : vector<1024x1xf32> to vector<1024x512xf32>
    %mul3A_15 = vector.broadcast %get3A_5 : vector<1x512xf32> to vector<1024x512xf32>
    %mul3A_16 = arith.mulf %mul3A_14, %mul3A_15 : vector<1024x512xf32>
    %sub3A = arith.subf %reshape3A, %mul3A_16 : vector<1024x512xf32>
    %get3A_17 = arith.constant 0 : index
    %get3A_18 = arith.constant 0 : index
    %get3A_19 = vector.load %arg3[%get3A_17, %get3A_18] : memref<6x512xf32, #tpu.memory_space<vmem>>, vector<6x512xf32>
    %broadcast_in_dim3A_20 = vector.shape_cast %get3A_19 : vector<6x512xf32> to vector<1x6x512xf32>
    %broadcast_in_dim3A_21 = vector.shape_cast %broadcast_in_dim3A_20 : vector<1x6x512xf32> to vector<1x6x512xf32>
    %broadcast_in_dim3A_22 = vector.broadcast %broadcast_in_dim3A_21 : vector<1x6x512xf32> to vector<64x6x512xf32>
    %swap3A = arith.constant 0 : index
    %swap3A_23 = arith.constant 0 : index
    %swap3A_24 = arith.constant 0 : index
    %swap3A_25 = vector.load %arg6[%swap3A, %swap3A_23, %swap3A_24] : memref<64x77x512xf32, #tpu.memory_space<vmem>>, vector<64x6x512xf32>
    tpu.vector_store %arg6[%swap3A, %swap3A_23, %swap3A_24], %broadcast_in_dim3A_22 {strides = array<i32>} : memref<64x77x512xf32, #tpu.memory_space<vmem>>, vector<64x6x512xf32>,
    %reshape3A_26 = vector.shape_cast %sub3A : vector<1024x512xf32> to vector<64x16x512xf32>
    %swap3A_27 = arith.constant 0 : index
    %swap3A_28 = arith.constant 6 : index
    %swap3A_29 = arith.constant 0 : index
    %swap3A_30 = vector.load %arg6[%swap3A_27, %swap3A_28, %swap3A_29] : memref<64x77x512xf32, #tpu.memory_space<vmem>>, vector<64x16x512xf32>
    tpu.vector_store %arg6[%swap3A_27, %swap3A_28, %swap3A_29], %reshape3A_26 {strides = array<i32>} : memref<64x77x512xf32, #tpu.memory_space<vmem>>, vector<64x16x512xf32>,
    %get3A_31 = arith.constant 0 : index
    %get3A_32 = arith.constant 0 : index
    %get3A_33 = vector.load %arg4[%get3A_31, %get3A_32] : memref<55x512xf32, #tpu.memory_space<vmem>>, vector<55x512xf32>
    %broadcast_in_dim3A_34 = vector.shape_cast %get3A_33 : vector<55x512xf32> to vector<1x55x512xf32>
    %broadcast_in_dim3A_35 = vector.shape_cast %broadcast_in_dim3A_34 : vector<1x55x512xf32> to vector<1x55x512xf32>
    %broadcast_in_dim3A_36 = vector.broadcast %broadcast_in_dim3A_35 : vector<1x55x512xf32> to vector<64x55x512xf32>
    %swap3A_37 = arith.constant 0 : index
    %swap3A_38 = arith.constant 22 : index
    %swap3A_39 = arith.constant 0 : index
    %swap3A_40 = vector.load %arg6[%swap3A_37, %swap3A_38, %swap3A_39] : memref<64x77x512xf32, #tpu.memory_space<vmem>>, vector<64x55x512xf32>
    tpu.vector_store %arg6[%swap3A_37, %swap3A_38, %swap3A_39], %broadcast_in_dim3A_36 {strides = array<i32>} : memref<64x77x512xf32, #tpu.memory_space<vmem>>, vector<64x55x512xf32>,
    return
  }
  func.func @transform_0(%arg0: i32) -> (i32, i32, i32) {
    %c0_i32 = arith.constant 0 : i32
    %c0_i32_0 = arith.constant 0 : i32
    %c0_i32_1 = arith.constant 0 : i32
    return %arg0, %c0_i32, %c0_i32_0 : i32, i32, i32
  }
  func.func @transform_1(%arg0: i32) -> (i32, i32) {
    %c0_i32 = arith.constant 0 : i32
    %c0_i32_0 = arith.constant 0 : i32
    return %arg0, %c0_i32 : i32, i32
  }
  func.func @transform_2(%arg0: i32) -> (i32, i32) {
    %c0_i32 = arith.constant 0 : i32
    %c0_i32_0 = arith.constant 0 : i32
    %c0_i32_1 = arith.constant 0 : i32
    return %c0_i32, %c0_i32_0 : i32, i32
  }
  func.func @transform_3(%arg0: i32) -> (i32, i32) {
    %c0_i32 = arith.constant 0 : i32
    %c0_i32_0 = arith.constant 0 : i32
    %c0_i32_1 = arith.constant 0 : i32
    return %c0_i32, %c0_i32_0 : i32, i32
  }
  func.func @transform_4(%arg0: i32) -> (i32, i32) {
    %c0_i32 = arith.constant 0 : i32
    %c0_i32_0 = arith.constant 0 : i32
    %c0_i32_1 = arith.constant 0 : i32
    return %c0_i32, %c0_i32_0 : i32, i32
  }
  func.func @transform_5(%arg0: i32) -> (i32, i32, i32) {
    %c0_i32 = arith.constant 0 : i32
    %c0_i32_0 = arith.constant 0 : i32
    %c0_i32_1 = arith.constant 0 : i32
    return %arg0, %c0_i32, %c0_i32_0 : i32, i32, i32
  }
}

</mosaic_0001>

<sc_bundles>
// kernel: kernel.4.cloned.1.call-start
scs
__scs_entry_jumppad:
0x0: {  	(pc) =	sbr.rel $0x88, $3  }
0x1: {  	(tag) =	ssettag $0x0;
	lr =	simm.s32 $0x1  }
0x2: {  	[smem:$0x3F9C] =	sst lr;
	_ =	strace $0xD0000000  }
0x3: {  	_ = 	snop  }
0x4: {  	_ = 	snop  }
0x5: {  	_ = 	snop  }
0x6: {  	_ = 	snop  }
0x7: {  	_ = 	snop  }
__scs_overlays_trampoline_lowered:
0x8: {  	[smem:$0x3FAB] =	sst s0  }
0x9: {  	[smem:$0x3FAC] =	sst s1  }
0xa: {  	[smem:$0x3FAD] =	sst s2  }
0xb: {  	[smem:$0x3FAE] =	sst s3  }
0xc: {  	[smem:$0x3FAF] =	sst s4  }
0xd: {  	[smem:$0x3FB0] =	sst s5  }
0xe: {  	[smem:$0x3FB1] =	sst s6  }
0xf: {  	[smem:$0x3FB2] =	sst s7  }
0x10: {  	[smem:$0x3FB3] =	sst s8  }
0x11: {  	[smem:$0x3FB4] =	sst s9;
	s0 =	simm.s32 @!p0 $0x0  }
0x12: {  	s1 =	sld [smem:$0x3F9A];
	s0 =	simm.s32 @p0 $0x1  }
0x13: {  	[smem:$0x3FB5] =	sst s0;
	s0 =	simm.s32 @!p1 $0x0  }
0x14: {  	s2 =	sld [smem:$0x3F99];
	s0 =	simm.s32 @p1 $0x1  }
0x15: {  	[smem:$0x3FB6] =	sst s0;
	s0 =	simm.s32 @!p2 $0x0  }
0x16: {  	s3 =	sld [smem:$0x3FDB];
	s0 =	simm.s32 @p2 $0x1  }
0x17: {  	s4 =	simm.s32 $0x1BF5;
	[smem:$0x3FB8] =	sst s0  }
0x18: {  	s0 =	sld [smem:$0x3F9B];
	_ =	swait.ge [sflag:s4], $0x0  }
0x19: {  	s7 =	sld [smem:$0x3F9C]  }
0x1a: {  	s8 =	sadd.s32 $0xFFFFE003, lr  }
0x1b: {  	s9 =	sadd.s32 $0xFFFFFEF7, lr;
	s5 =	simm.s32 $0xFFFFFFFF;
	p2 =	slt.u32 s8, $0xFFFFF086  }
0x1c: {  	p1 =	slt.u32 s9, $0xF7A;
	s5 =	simm.s32 @!p2 $0x0  }
0x1d: {  	s5 =	simm.s32 @p1 $0x1;
	p0 =	seq.s32 s7, s2  }
0x1e: {  	s7 =	smul.u32 @!p0 $0xF7A, s2;
	p2 =	seq.s32 @!p0 s5, $0x0  }
0x1f: {  	s9 =	smul.u32 $0xF7A, s1;
	s8 =	simm.s32 @!p0 $0x1BF5;
	p2 =	por !p2, p0  }
0x20: {  	[sflag:s8] =	ssyncset.s32 @!p0 $0xFFFFF086;
	s6 =	sadd.s32 @!p0 s3, s7;
	s7 =	simm.s32 @!p0 $0x108  }
0x21: {  	s3 =	sadd.s32 s3, s9;
	s6 =	sadd.s32 @!p0 $0x88, s6;
	s7 =	simm.s32 @p2 $0x1082  }
0x22: {  	[simem:s7], [sflag:s8] =	dma.local @!p0 [hbm:s6], $0xF7A  }
0x23: {  	s9 =	sor.u32 $0xD0000000, s2;
	s6 =	simm.s32 $0x108;
	_ =	swait.ge @!p0 [sflag:s8], $0x0  }
0x24: {  	s3 =	sadd.s32 $0x88, s3;
	s6 =	simm.s32 @!p1 $0x1082;
	[sflag:s4] =	ssyncset.s32 $0xFFFFF086  }
0x25: {  	[simem:s6], [sflag:s4] =	dma.local [hbm:s3], $0xF7A  }
0x26: {  	[smem:$0x3F9C] =	sst s1;
	(tag) =	ssettag s2;
	_ =	strace s9  }
0x27: {  	s1 =	sld [smem:$0x3FAC]  }
0x28: {  	s2 =	sld [smem:$0x3FAD]  }
0x29: {  	s4 =	sld [smem:$0x3FAF]  }
0x2a: {  	p0 =	seq.s32 s5, $0x0;
	s5 =	sld [smem:$0x3FB0]  }
0x2b: {  	s6 =	sld [smem:$0x3FB1]  }
0x2c: {  	s7 =	sld [smem:$0x3FB2]  }
0x2d: {  	s3 =	simm.s32 $0x108;
	s8 =	sld [smem:$0x3FB3]  }
0x2e: {  	s3 =	simm.s32 @!p0 $0x1082;
	s9 =	sld [smem:$0x3FB4]  }
0x2f: {  	lr =	sadd.s32 s0, s3;
	s0 =	sld [smem:$0x3FAB]  }
0x30: {  	s3 =	sld [smem:$0x3FAE]  }
0x31: {  	[smem:$0x3FB7] =	sst s10  }
0x32: {  	s10 =	sld [smem:$0x3FB5];
	_ =	sdelay $0x3  }
0x33: {  	p0 =	seq.s32 s10, $0x1;
	s10 =	sld [smem:$0x3FB7];
	_ =	sdelay $0x3  }
0x34: {  	[smem:$0x3FB7] =	sst s10  }
0x35: {  	s10 =	sld [smem:$0x3FB6];
	_ =	sdelay $0x3  }
0x36: {  	p1 =	seq.s32 s10, $0x1;
	s10 =	sld [smem:$0x3FB7];
	_ =	sdelay $0x3  }
0x37: {  	[smem:$0x3FB7] =	sst s10  }
0x38: {  	s10 =	sld [smem:$0x3FB8]  }
0x39: {  	_ = 	snop;
	(pc) =	sbr.ind lr, $3  }
0x3a: {  	_ = 	snop  }
0x3b: {  	_ = 	snop  }
0x3c: {  	p2 =	seq.s32 s10, $0x1;
	s10 =	sld [smem:$0x3FB7]  }
0x3d: {  	_ =	shalt  }
0x3e: {  	_ =	shalt  }
0x3f: {  	_ =	shalt  }
0x40: {  	_ =	shalt  }
0x41: {  	_ =	shalt  }
0x42: {  	_ =	shalt  }
0x43: {  	_ =	shalt  }
0x44: {  	_ =	shalt  }
0x45: {  	_ =	shalt  }
0x46: {  	_ =	shalt  }
0x47: {  	_ =	shalt  }
0x48: {  	_ =	shalt  }
0x49: {  	_ =	shalt  }
0x4a: {  	_ =	shalt  }
0x4b: {  	_ =	shalt  }
0x4c: {  	_ =	shalt  }
0x4d: {  	_ =	shalt  }
0x4e: {  	_ =	shalt  }
0x4f: {  	_ =	shalt  }
0x50: {  	_ =	shalt  }
0x51: {  	_ =	shalt  }
0x52: {  	_ =	shalt  }
0x53: {  	_ =	shalt  }
0x54: {  	_ =	shalt  }
0x55: {  	_ =	shalt  }
0x56: {  	_ =	shalt  }
0x57: {  	_ =	shalt  }
0x58: {  	_ =	shalt  }
0x59: {  	_ =	shalt  }
0x5a: {  	_ =	shalt  }
0x5b: {  	_ =	shalt  }
0x5c: {  	_ =	shalt  }
0x5d: {  	_ =	shalt  }
0x5e: {  	_ =	shalt  }
0x5f: {  	_ =	shalt  }
0x60: {  	_ =	shalt  }
0x61: {  	_ =	shalt  }
0x62: {  	_ =	shalt  }
0x63: {  	_ =	shalt  }
0x64: {  	_ =	shalt  }
0x65: {  	_ =	shalt  }
0x66: {  	_ =	shalt  }
0x67: {  	_ =	shalt  }
0x68: {  	_ =	shalt  }
0x69: {  	_ =	shalt  }
0x6a: {  	_ =	shalt  }
0x6b: {  	_ =	shalt  }
0x6c: {  	_ =	shalt  }
0x6d: {  	_ =	shalt  }
0x6e: {  	_ =	shalt  }
0x6f: {  	_ =	shalt  }
0x70: {  	_ =	shalt  }
0x71: {  	_ =	shalt  }
0x72: {  	_ =	shalt  }
0x73: {  	_ =	shalt  }
0x74: {  	_ =	shalt  }
0x75: {  	_ =	shalt  }
0x76: {  	_ =	shalt  }
0x77: {  	_ =	shalt  }
0x78: {  	_ =	shalt  }
0x79: {  	_ =	shalt  }
0x7a: {  	_ =	shalt  }
0x7b: {  	_ =	shalt  }
0x7c: {  	_ =	shalt  }
0x7d: {  	_ =	shalt  }
0x7e: {  	_ =	shalt  }
0x7f: {  	_ =	shalt  }
0x80: {  	_ =	shalt  }
0x81: {  	_ =	shalt  }
0x82: {  	_ =	shalt  }
0x83: {  	_ =	shalt  }
0x84: {  	_ =	shalt  }
0x85: {  	_ =	shalt  }
0x86: {  	_ =	shalt  }
0x87: {  	_ =	shalt  }
.Lfunc_end0:
.L_simem_size_0:
called_computation_lowered:
.L_overlay_start_0:
0x88: {  	s2 =	sld [smem:$0x3FD9]  }
0x89: {  	s3 =	sld [smem:$0x3FFE];
	_ =	sdelay $0x1  }
0x8a: {  	s1 =	srdreg.scid  }
0x8b: {  	s0 =	sand.u32 $0x1, s1  }
0x8c: {  	s17 =	sshll.u32 s0, $0xA;
	s2 =	sadd.s32 s3, s2  }
0x8d: {  	s2 =	sadd.s32 s2, s17  }
0x8e: {  	[smem:$0x3FC3] =	sst s2  }
0x8f: {  	_ = 	snop  }
0x90: {  	s2 =	sld [smem:$0x3FC8]  }
0x91: {  	s18 =	sld [smem:$0x3FD0];
	(tm) =	ssettm $0x1  }
0x92: {  	s4 =	sld [smem:$0x3FFB];
	_ =	sdelay $0x3  }
0x93: {  	_ =	strace s4  }
0x94: {  	s4 =	sld [smem:$0x3FFC];
	_ =	sdelay $0x3  }
0x95: {  	_ =	strace s4  }
0x96: {  	s4 =	sld [smem:$0x3FFD];
	_ =	sdelay $0x3  }
0x97: {  	_ =	strace s4  }
0x98: {  	_ =	strace $0x8FFFFFFF  }
0x99: {  	s19 =	sld [smem:$0x3FDB];
	_ =	sdelay $0x1  }
0x9a: {  	s5 =	simm.s32 $_scs_section_size  }
0x9b: {  	s6 =	simm.s32 $_size__tile_overlayer_lowered;
	s7 =	simm.s32 $_tile_overlayer_lowered  }
0x9c: {  	s22 =	simm.s32 $0x1BFF;
	s21 =	sshll.u32 s7, $0x1;
	s4 =	sadd.s32 s5, s19  }
0x9d: {  	s8 =	simm.s32 $0x0;
	s20 =	sshll.u32 s6, $0x1;
	s6 =	sadd.s32 s21, s4  }
0x9e: {  	[timem:s8], [sflag:s22] =	dma.local [hbm:s6], s20  }
0x9f: {  	_ =	swait.ge [sflag:s22], s20  }
0xa0: {  	s5 =	ssub.s32 $0x0, s20;
	[sflag:s22] =	ssyncset.done $0x0  }
0xa1: {  	[sflag:s22] =	ssyncadd.s32 s5;
	_ =	sdelay $0x1  }
0xa2: {  	s23 =	simm.s32 $0x1B8B  }
0xa3: {  	_ =	swait.ge [sflag:s23], $0x1  }
0xa4: {  	[sflag:s23] =	ssyncset.done $0x0  }
0xa5: {  	s25 =	simm.s32 $0x1B8E;
	s24 =	sld [smem:$0x3FFE];
	[sflag:s23] =	ssyncadd.s32 $0xFFFFFFFF  }
0xa6: {  	s26 =	simm.s32 $execute0_lowered;
	[smem:$0x3FD2] =	sst s25  }
0xa7: {  	s6 =	sshll.u32 s26, $0x1;
	_ =	strace $0x80000046;
	[dreg:$0x1] =	wrdreg $0xFFFFFFFF  }
0xa8: {  	s28 =	simm.s32 $_size_execute0_lowered;
	s4 =	sadd.s32 s4, s6;
	[dreg:$0x0] =	wrdreg $0x0  }
0xa9: {  	s6 =	sshll.u32 s28, $0x1;
	[dreg:$0x2] =	wrdreg s4  }
0xaa: {  	[dreg:$0x3] =	wrdreg s6  }
0xab: {  	[dreg:$0x4] =	wrdreg $0xC0  }
0xac: {  	_ =	task [dreg:s8], $0x5FFFF  }
0xad: {  	[dreg:$0x1] =	wrdreg $0xFFFFFFFF  }
0xae: {  	[dreg:$0x0] =	wrdreg $0x60  }
0xaf: {  	[dreg:$0x2] =	wrdreg s24  }
0xb0: {  	[dreg:$0x3] =	wrdreg s2  }
0xb1: {  	[dreg:$0x4] =	wrdreg s18  }
0xb2: {  	[dreg:$0x5] =	wrdreg $0x9  }
0xb3: {  	_ =	task.clear_ibuf [dreg:s8], $0x6FFFF;
	_ =	strace $0x90000046  }
0xb4: {  	s29 =	simm.s32 $0x9;
	_ =	strace $0x80000048  }
0xb5: {  	_ =	swait.ge [sflag:s29], $0x1  }
0xb6: {  	[sflag:s29] =	ssyncadd.s32 $0xFFFFFFFF  }
0xb7: {  	_ =	strace $0x90000048  }
0xb8: {  	_ =	sfence  }
0xb9: {  	s30 =	sld [smem:$0x0];
	_ =	sdelay $0x2  }
0xba: {  	s31 =	sshll.u32 s1, $0xD;
	s1 =	sshrl.u32 s1, $0x2  }
0xbb: {  	s3 =	sand.u32 $0x4000, s31;
	s1 =	sadd.s32 s1, s30  }
0xbc: {  	s0 =	sor.u32 s3, s0;
	s1 =	sshll.u32 s1, $0x11  }
0xbd: {  	s0 =	sor.u32 s1, s0  }
0xbe: {  	s0 =	sadd.s32 $0x8F2B, s0  }
0xbf: {  	[sflag:s0] =	ssyncadd.remote.s32 $0x1  }
0xc0: {  	_ =	sfence.sel $0xFFFF  }
0xc1: {  	[dreg:$0x0] =	wrdreg $0xFFFFFFFF;
	(pc) =	sbr.abs _section_cstart, $3  }
0xc2: {  	[dreg:$0x1] =	wrdreg $0xFFFFFFFF  }
0xc3: {  	_ =	task.clear_ibuf [dreg:s8], $0x2FFFF;
	_ =	strace $0x9FFFFFFF  }
0xc4: {  	(tm) =	ssettm $0x7FFFFFFF  }
0xc5: {  	_ =	shalt  }
tec
execute0_lowered:
.L_overlay_start_1:
0x0: {  	(tag) =	ssettag $0x1  }
0x1: {  	s4 =	rddreg [dreg:$0x0]  }
0x2: {  	s1 =	rddreg [dreg:$0x1]  }
0x3: {  	s5 =	rddreg [dreg:$0x2]  }
0x4: {  	s2 =	srdreg.scid;
	s0 =	rddreg [dreg:$0x3];
	s3 =	simm.s32 $0x0  }
0x5: {  	s14 =	simm.s32 $0x3;
	s15 =	simm.s32 $0x400;
	s16 =	simm.s32 $0x8400  }
0x6: {  	s17 =	simm.s32 $0x1;
	s18 =	simm.s32 $0x2;
	s6 =	sand.u32 $0x1, s2  }
0x7: {  	[smem:$0x7FF] =	sst s3;
	s2 =	stileid.u32;
	s7 =	sshll.u32 s6, $0x4  }
0x8: {  	_ =	strace $0x80000047;
	s6 =	ssub.s32 $0x2, s6;
	s7 =	sor.u32 s2, s7  }
0x9: {  	s9 =	sshrl.u32 s6, $0x1;
	s8 =	sshll.u32 s7, $0x7;
	s7 =	sshll.u32 s7, $0xF  }
0xa: {  	s13 =	ssub.s32 s6, s9;
	s8 =	sadd.s32 s8, s4;
	s4 =	sadd.s32 s5, s7  }
0xb: {  	s13 =	smax.u32 s13, $0x1;
	s5 =	sadd.s32 $0xA00, s8;
	s6 =	sadd.s32 $0x1000, s4  }
0xc: {  	s7 =	sadd.s32 $0x2000, s4;
	s8 =	sadd.s32 $0x3000, s4;
	s9 =	sadd.s32 $0x4000, s4  }
0xd: {  	vm0 =	vmmov $0xf;
	v0 =	vlaneseq.u32;
	s10 =	sadd.s32 $0x5000, s4;
	s11 =	sadd.s32 $0x6000, s4;
	s12 =	sadd.s32 $0x7000, s4  }
.LBB2_1:
0xe: {  	[tilespmem:s3], [sflag:$0x3] =	stream.linear.gather [hbm4b:s5+s3], $0x400, $0x38;
	[tilespmem:$0x10400] =	vst v63  }
0xf: {  	_ =	swait.ge [sflag:s14], $0x400  }
0x10: {  	[sflag:s14] =	ssyncset.done $0x0  }
0x11: {  	[sflag:s14] =	ssyncadd.s32 $0xFFFFFC00  }
0x12: {  	v1 =	vld.msk [tilespmem:$0x0], $0xf;
	_ =	sdelay $0x4  }
0x13: {  	v1 =	vshll.u32 v1, $0xD  }
0x14: {  	v1 =	vperm.xlane v1, v0;
	_ =	sdelay $0x5  }
0x15: {  	[tilespmem:s15], [sflag:$0x1] =	stream.indirect_vreg.gather [hbm4b:s1+s3], $0x2000, v1, vm0, $0x38;
	[tilespmem:$0x10400] =	vst v63  }
0x16: {  	v1 =	vld.msk [tilespmem:$0x80], $0xf;
	_ =	sdelay $0x4  }
0x17: {  	v1 =	vshll.u32 v1, $0xD  }
0x18: {  	v1 =	vperm.xlane v1, v0;
	_ =	sdelay $0x5  }
0x19: {  	[tilespmem:s16], [sflag:$0x1] =	stream.indirect_vreg.gather [hbm4b:s1+s3], $0x2000, v1, vm0, $0x38;
	[tilespmem:$0x10400] =	vst v63  }
0x1a: {  	_ =	swait.ge [sflag:s17], $0x8000  }
0x1b: {  	[sflag:s17] =	ssyncset.done $0x0  }
0x1c: {  	[sflag:s17] =	ssyncadd.s32 $0xFFFF8000  }
0x1d: {  	[hbm4b:s4+s3] =	stream.linear.scatter [tilespmem:s15], [sflag:$0x2], $0x8000, $0x38;
	[tilespmem:$0x10400] =	vst v63  }
0x1e: {  	_ =	swait.ge [sflag:s18], $0x8000  }
0x1f: {  	[sflag:s18] =	ssyncset.done $0x0  }
0x20: {  	[sflag:s18] =	ssyncadd.s32 $0xFFFF8000  }
0x21: {  	v1 =	vld.msk [tilespmem:$0x100], $0xf;
	_ =	sdelay $0x4  }
0x22: {  	v1 =	vshll.u32 v1, $0xD  }
0x23: {  	v1 =	vperm.xlane v1, v0;
	_ =	sdelay $0x5  }
0x24: {  	[tilespmem:s15], [sflag:$0x1] =	stream.indirect_vreg.gather [hbm4b:s1+s3], $0x2000, v1, vm0, $0x38;
	[tilespmem:$0x10400] =	vst v63  }
0x25: {  	_ =	swait.ge [sflag:s17], $0x8000  }
0x26: {  	[sflag:s17] =	ssyncset.done $0x0  }
0x27: {  	[sflag:s17] =	ssyncadd.s32 $0xFFFF8000  }
0x28: {  	[hbm4b:s6+s3] =	stream.linear.scatter [tilespmem:s16], [sflag:$0x2], $0x8000, $0x38;
	[tilespmem:$0x10400] =	vst v63  }
0x29: {  	_ =	swait.ge [sflag:s18], $0x8000  }
0x2a: {  	[sflag:s18] =	ssyncset.done $0x0  }
0x2b: {  	[sflag:s18] =	ssyncadd.s32 $0xFFFF8000  }
0x2c: {  	v1 =	vld.msk [tilespmem:$0x180], $0xf;
	_ =	sdelay $0x4  }
0x2d: {  	v1 =	vshll.u32 v1, $0xD  }
0x2e: {  	v1 =	vperm.xlane v1, v0;
	_ =	sdelay $0x5  }
0x2f: {  	[tilespmem:s16], [sflag:$0x1] =	stream.indirect_vreg.gather [hbm4b:s1+s3], $0x2000, v1, vm0, $0x38;
	[tilespmem:$0x10400] =	vst v63  }
0x30: {  	_ =	swait.ge [sflag:s17], $0x8000  }
0x31: {  	[sflag:s17] =	ssyncset.done $0x0  }
0x32: {  	[sflag:s17] =	ssyncadd.s32 $0xFFFF8000  }
0x33: {  	[hbm4b:s7+s3] =	stream.linear.scatter [tilespmem:s15], [sflag:$0x2], $0x8000, $0x38;
	[tilespmem:$0x10400] =	vst v63  }
0x34: {  	_ =	swait.ge [sflag:s18], $0x8000  }
0x35: {  	[sflag:s18] =	ssyncset.done $0x0  }
0x36: {  	[sflag:s18] =	ssyncadd.s32 $0xFFFF8000  }
0x37: {  	v1 =	vld.msk [tilespmem:$0x200], $0xf;
	_ =	sdelay $0x4  }
0x38: {  	v1 =	vshll.u32 v1, $0xD  }
0x39: {  	v1 =	vperm.xlane v1, v0;
	_ =	sdelay $0x5  }
0x3a: {  	[tilespmem:s15], [sflag:$0x1] =	stream.indirect_vreg.gather [hbm4b:s1+s3], $0x2000, v1, vm0, $0x38;
	[tilespmem:$0x10400] =	vst v63  }
0x3b: {  	_ =	swait.ge [sflag:s17], $0x8000  }
0x3c: {  	[sflag:s17] =	ssyncset.done $0x0  }
0x3d: {  	[sflag:s17] =	ssyncadd.s32 $0xFFFF8000  }
0x3e: {  	[hbm4b:s8+s3] =	stream.linear.scatter [tilespmem:s16], [sflag:$0x2], $0x8000, $0x38;
	[tilespmem:$0x10400] =	vst v63  }
0x3f: {  	_ =	swait.ge [sflag:s18], $0x8000  }
0x40: {  	[sflag:s18] =	ssyncset.done $0x0  }
0x41: {  	[sflag:s18] =	ssyncadd.s32 $0xFFFF8000  }
0x42: {  	v1 =	vld.msk [tilespmem:$0x280], $0xf;
	_ =	sdelay $0x4  }
0x43: {  	v1 =	vshll.u32 v1, $0xD  }
0x44: {  	v1 =	vperm.xlane v1, v0;
	_ =	sdelay $0x5  }
0x45: {  	[tilespmem:s16], [sflag:$0x1] =	stream.indirect_vreg.gather [hbm4b:s1+s3], $0x2000, v1, vm0, $0x38;
	[tilespmem:$0x10400] =	vst v63  }
0x46: {  	_ =	swait.ge [sflag:s17], $0x8000  }
0x47: {  	[sflag:s17] =	ssyncset.done $0x0  }
0x48: {  	[sflag:s17] =	ssyncadd.s32 $0xFFFF8000  }
0x49: {  	[hbm4b:s9+s3] =	stream.linear.scatter [tilespmem:s15], [sflag:$0x2], $0x8000, $0x38;
	[tilespmem:$0x10400] =	vst v63  }
0x4a: {  	_ =	swait.ge [sflag:s18], $0x8000  }
0x4b: {  	[sflag:s18] =	ssyncset.done $0x0  }
0x4c: {  	[sflag:s18] =	ssyncadd.s32 $0xFFFF8000  }
0x4d: {  	v1 =	vld.msk [tilespmem:$0x300], $0xf;
	_ =	sdelay $0x4  }
0x4e: {  	v1 =	vshll.u32 v1, $0xD  }
0x4f: {  	v1 =	vperm.xlane v1, v0;
	_ =	sdelay $0x5  }
0x50: {  	[tilespmem:s15], [sflag:$0x1] =	stream.indirect_vreg.gather [hbm4b:s1+s3], $0x2000, v1, vm0, $0x38;
	[tilespmem:$0x10400] =	vst v63  }
0x51: {  	_ =	swait.ge [sflag:s17], $0x8000  }
0x52: {  	[sflag:s17] =	ssyncset.done $0x0  }
0x53: {  	[sflag:s17] =	ssyncadd.s32 $0xFFFF8000  }
0x54: {  	[hbm4b:s10+s3] =	stream.linear.scatter [tilespmem:s16], [sflag:$0x2], $0x8000, $0x38;
	[tilespmem:$0x10400] =	vst v63  }
0x55: {  	_ =	swait.ge [sflag:s18], $0x8000  }
0x56: {  	[sflag:s18] =	ssyncset.done $0x0  }
0x57: {  	[sflag:s18] =	ssyncadd.s32 $0xFFFF8000  }
0x58: {  	v1 =	vld.msk [tilespmem:$0x380], $0xf;
	_ =	sdelay $0x4  }
0x59: {  	v1 =	vshll.u32 v1, $0xD  }
0x5a: {  	v1 =	vperm.xlane v1, v0;
	_ =	sdelay $0x5  }
0x5b: {  	[tilespmem:s16], [sflag:$0x1] =	stream.indirect_vreg.gather [hbm4b:s1+s3], $0x2000, v1, vm0, $0x38;
	[tilespmem:$0x10400] =	vst v63  }
0x5c: {  	_ =	swait.ge [sflag:s17], $0x8000  }
0x5d: {  	[sflag:s17] =	ssyncset.done $0x0  }
0x5e: {  	[sflag:s17] =	ssyncadd.s32 $0xFFFF8000  }
0x5f: {  	[hbm4b:s11+s3] =	stream.linear.scatter [tilespmem:s15], [sflag:$0x2], $0x8000, $0x38;
	[tilespmem:$0x10400] =	vst v63  }
0x60: {  	_ =	swait.ge [sflag:s17], $0x8000  }
0x61: {  	[sflag:s17] =	ssyncset.done $0x0  }
0x62: {  	[sflag:s17] =	ssyncadd.s32 $0xFFFF8000  }
0x63: {  	[hbm4b:s12+s3] =	stream.linear.scatter [tilespmem:s16], [sflag:$0x2], $0x8000, $0x38;
	[tilespmem:$0x10400] =	vst v63  }
0x64: {  	p0 =	sne.s32 s13, $0x1;
	_ =	swait.ge [sflag:s18], $0x8000  }
.Ltmp0:
0x65: {  	[sflag:s18] =	ssyncset.done $0x0;
	(pc) =	sbr.rel @p0 .LBB2_1-.Ltmp0, $4  }
0x66: {  	[sflag:s18] =	ssyncadd.s32 $0xFFFF8000  }
0x67: {  	_ =	swait.ge [sflag:s18], $0x8000  }
0x68: {  	[sflag:s18] =	ssyncset.done $0x0  }
0x69: {  	s13 =	sadd.s32 $0xFFFFFFFF, s13;
	[sflag:s18] =	ssyncadd.s32 $0xFFFF8000  }
0x6a: {  	_ =	sfence.sel $0x180000  }
0x6b: {  	[bflag:$0x0] =	sbarrier.arrive $0xFFFF  }
0x6c: {  	p0 =	sne.s32 s2, $0x0;
	_ =	strace $0x90000047  }
0x6d: {  	s0 =	sadd.s32 @!p0 $0x100000, s0;
	[bflag:$0x2] =	sbarrier.arrive $0xFFFF  }
0x6e: {  	[sflag:s0] =	ssyncadd.tile.s32 @!p0 $0x1;
	_ =	shalt  }
.Lfunc_end2:
_tile_overlayer_lowered:
.L_overlay_start_2:
0x6f: {  	(tag) =	ssettag $0x2  }
0x70: {  	s0 =	rddreg [dreg:$0x0];
	s2 =	stileid.u32  }
0x71: {  	s1 =	rddreg [dreg:$0x1];
	p0 =	sne.s32 s2, $0x0  }
0x72: {  	s3 =	rddreg [dreg:$0x2];
	[bflag:$0x3] =	sbarrier.arrive $0xFFFF;
	s2 =	simm.s32 @!p0 $0x1C03  }
0x73: {  	[timem:s3], [sflag:s2] =	dma.local @!p0 [hbm:s0], s1  }
0x74: {  	s0 =	simm.s32 @!p0 $0x3  }
0x75: {  	_ =	swait.ge @!p0 [sflag:s0], s1  }
0x76: {  	s1 =	ssub.s32 @!p0 $0x0, s1;
	[sflag:s0] =	ssyncset.done @!p0 $0x0  }
0x77: {  	[sflag:s0] =	ssyncadd.s32 @!p0 s1  }
0x78: {  	[bflag:$0x3] =	sbarrier.arrive $0xFFFF  }
0x79: {  	_ =	shalt  }

</sc_bundles>
